<compile_context>
chip_gen: v7x
topology: tpu7x:2x2x1
jax: 0.10.2.dev20260603
libtpu: 0.0.44.dev20260713+nightly
codegen_flags: <defaults>
</compile_context>

<pallas_src>
import functools

import jax
import jax.numpy as jnp
from jax import lax
from jax.experimental import pallas as pl
from jax.experimental.pallas import tpu as pltpu
from jax.experimental.pallas import tpu_sc as plsc

SEQ_LEN = 8192
NUM_CORES = 1
NUM_SUBCORES = 16
LANES = 16
NUM_WORKERS = NUM_CORES * NUM_SUBCORES
BPW = SEQ_LEN // NUM_WORKERS

_mesh = plsc.VectorSubcoreMesh(core_axis_name="c", subcore_axis_name="s", num_cores=1)


@functools.partial(
    pl.kernel,
    mesh=_mesh,
    out_type=jax.ShapeDtypeStruct((SEQ_LEN,), jnp.float32),
    scratch_types=[
        pltpu.VMEM((BPW,), jnp.int32),
        pltpu.VMEM((BPW,), jnp.float32),
        pltpu.VMEM((BPW,), jnp.float32),
        pltpu.VMEM((BPW,), jnp.float32),
        pltpu.SemaphoreType.DMA,
        pltpu.SemaphoreType.DMA,
        pltpu.SemaphoreType.DMA,
    ],
)
def _shmoof_sc(idx_hbm, kmer_hbm, site_hbm, out_hbm, idx_v, lk_v, ls_v, out_v,
               g0_sem, g1_sem, out_sem):
    wid = lax.axis_index("s") * NUM_CORES + lax.axis_index("c")
    base = wid * BPW
    half = BPW // 2
    pltpu.sync_copy(idx_hbm.at[pl.ds(base, BPW)], idx_v)
    g0 = pltpu.async_copy(
        kmer_hbm.at[idx_v.at[pl.ds(0, half)]], lk_v.at[pl.ds(0, half)], g0_sem)
    g1 = pltpu.async_copy(
        kmer_hbm.at[idx_v.at[pl.ds(half, half)]], lk_v.at[pl.ds(half, half)], g1_sem)
    pltpu.sync_copy(site_hbm.at[pl.ds(base, BPW)], ls_v)
    g0.wait()
    for i in range(half // LANES):
        sl = pl.ds(i * LANES, LANES)
        out_v[sl] = jnp.exp(lk_v[sl] + ls_v[sl])
    o0 = pltpu.async_copy(
        out_v.at[pl.ds(0, half)], out_hbm.at[pl.ds(base, half)], out_sem)
    g1.wait()
    for i in range(half // LANES, BPW // LANES):
        sl = pl.ds(i * LANES, LANES)
        out_v[sl] = jnp.exp(lk_v[sl] + ls_v[sl])
    o1 = pltpu.async_copy(
        out_v.at[pl.ds(half, half)], out_hbm.at[pl.ds(base + half, half)], out_sem)
    o0.wait()
    o1.wait()


def kernel(encoded_parent, log_kmer_rates, log_site_rates):
    return _shmoof_sc(
        encoded_parent,
        log_kmer_rates.reshape(-1),
        log_site_rates.reshape(-1)[:SEQ_LEN],
    )

# --- scband reference (transcript-rebuilt; emitter-appended) ---
"""Pipeline reference for scband-shmoof-model-67826123538508 (READ-ONLY COPY).

The authoritative reference and input builder live on the scoring server;
editing this copy changes nothing except your own understanding.
"""

import jax, jax.numpy as jnp
import numpy as np

KMER_COUNT = 262144  # 9-mer DNA vocabulary (4**9)
SITE_COUNT = 8192    # dataset.max_length
SEQ_LEN = 8192       # length of encoded_parent (must be <= SITE_COUNT)


def setup_inputs(seed: int = 0) -> dict:
    key = jax.random.key(seed)
    k1, k2, k3 = jax.random.split(key, 3)
    encoded_parent = jax.random.randint(k1, (SEQ_LEN,), 0, KMER_COUNT, dtype=jnp.int32)
    log_kmer_rates = jax.random.normal(k2, (KMER_COUNT, 1), dtype=jnp.float32) * 0.02
    log_site_rates = jax.random.normal(k3, (SITE_COUNT, 1), dtype=jnp.float32) * 0.02
    return {
        "encoded_parent": encoded_parent,
        "log_kmer_rates": log_kmer_rates,
        "log_site_rates": log_site_rates,
    }


def reference(encoded_parent, log_kmer_rates, log_site_rates):
    # nn.Embedding(kmer_count, 1)(encoded_parent).squeeze()
    lk = jnp.take(log_kmer_rates, encoded_parent, axis=0).squeeze(-1)
    # positions = arange(len(encoded_parent)); nn.Embedding(site_count, 1)(positions).squeeze()
    positions = jnp.arange(encoded_parent.shape[0])
    ls = jnp.take(log_site_rates, positions, axis=0).squeeze(-1)
    rates = jnp.exp(lk + ls)
    return rates

if __name__ == "__main__":
    import jax
    _d = setup_inputs()
    print(jax.jit(kernel)(*tuple(_d.values())))

</pallas_src>

<mosaic_0001>
#map = affine_map<(d0, d1) -> (0)>
module attributes {stable_mosaic.version = 14 : i64} {
  func.func @_shmoof_sc(%arg0: i32, %arg1: i32, %arg2: memref<8192xi32, #tpu.memory_space<hbm>>, %arg3: memref<262144xf32, #tpu.memory_space<hbm>>, %arg4: memref<8192xf32, #tpu.memory_space<hbm>>, %arg5: memref<8192xf32, #tpu.memory_space<hbm>>, %arg6: memref<512xi32, #tpu.memory_space<vmem>>, %arg7: memref<512xf32, #tpu.memory_space<vmem>>, %arg8: memref<512xf32, #tpu.memory_space<vmem>>, %arg9: memref<512xf32, #tpu.memory_space<vmem>>, %arg10: memref<!tpu.dma_semaphore, #tpu.memory_space<semaphore_mem>>, %arg11: memref<!tpu.dma_semaphore, #tpu.memory_space<semaphore_mem>>, %arg12: memref<!tpu.dma_semaphore, #tpu.memory_space<semaphore_mem>>) attributes {dimension_semantics = [#tpu.dimension_semantics<core_parallel>, #tpu.dimension_semantics<subcore_parallel>], iteration_bounds = array<i64: 1, 16>, scalar_prefetch = 0 : i64, scratch_operands = 7 : i64, tpu.core_type = #tpu.core_type<sc_vector_subcore>, window_params = [{transform_indices = #map}, {transform_indices = #map}, {transform_indices = #map}, {transform_indices = #map}]} {
    %mul3A = arith.constant 1 : i32
    %mul3A_0 = arith.muli %arg1, %mul3A : i32
    %add3A = arith.addi %mul3A_0, %arg0 : i32
    %mul3A_1 = arith.constant 512 : i32
    %mul3A_2 = arith.muli %add3A, %mul3A_1 : i32
    "tpu.region"() ({
      %run_scoped3A = tpu.sem_alloc : memref<!tpu.dma_semaphore, #tpu.memory_space<semaphore_mem>>
      %dma_start3A_432 = tpu.memref_slice %arg2[%mul3A_2] : memref<8192xi32, #tpu.memory_space<hbm>> -> memref<512xi32, #tpu.memory_space<hbm>>
      %dma_start3A_433 = tpu.memref_slice %arg2[%mul3A_2] : memref<8192xi32, #tpu.memory_space<hbm>> -> memref<512xi32, #tpu.memory_space<hbm>>
      tpu.enqueue_dma source(%dma_start3A_433 : memref<512xi32, #tpu.memory_space<hbm>>) target(%arg6 : memref<512xi32, #tpu.memory_space<vmem>>) target_semaphore(%run_scoped3A : memref<!tpu.dma_semaphore, #tpu.memory_space<semaphore_mem>>)
      %dma_wait3A_434 = tpu.memref_slice %arg2[%mul3A_2] : memref<8192xi32, #tpu.memory_space<hbm>> -> memref<512xi32, #tpu.memory_space<hbm>>
      %dma_wait3A_435 = tpu.memref_slice %arg2[%mul3A_2] : memref<8192xi32, #tpu.memory_space<hbm>> -> memref<512xi32, #tpu.memory_space<hbm>>
      tpu.wait_dma2 semaphore(%run_scoped3A : memref<!tpu.dma_semaphore, #tpu.memory_space<semaphore_mem>>) src(%dma_wait3A_435 : memref<512xi32, #tpu.memory_space<hbm>>) dst(%arg6 : memref<512xi32, #tpu.memory_space<vmem>>)
      tpu.yield
    }) : () -> ()
    %dma_start3A = arith.constant 0 : i32
    %dma_start3A_3 = tpu.memref_slice %arg7[%dma_start3A] : memref<512xf32, #tpu.memory_space<vmem>> -> memref<256xf32, #tpu.memory_space<vmem>>
    %dma_start3A_4 = arith.constant 0 : i32
    %dma_start3A_5 = tpu.memref_slice %arg6[%dma_start3A_4] : memref<512xi32, #tpu.memory_space<vmem>> -> memref<256xi32, #tpu.memory_space<vmem>>
    %dma_start3A_6 = arith.constant 0 : i32
    %dma_start3A_7 = tpu.memref_slice %arg3[%dma_start3A_6] : memref<262144xf32, #tpu.memory_space<hbm>> -> memref<262144xf32, #tpu.memory_space<hbm>>
    tpu.enqueue_indirect_dma source(%dma_start3A_7 : memref<262144xf32, #tpu.memory_space<hbm>>) target(%dma_start3A_3 : memref<256xf32, #tpu.memory_space<vmem>>) offsets(%dma_start3A_5 : memref<256xi32, #tpu.memory_space<vmem>>) semaphore(%arg10 : memref<!tpu.dma_semaphore, #tpu.memory_space<semaphore_mem>>)
    %dma_start3A_8 = arith.constant 256 : i32
    %dma_start3A_9 = tpu.memref_slice %arg7[%dma_start3A_8] : memref<512xf32, #tpu.memory_space<vmem>> -> memref<256xf32, #tpu.memory_space<vmem>>
    %dma_start3A_10 = arith.constant 256 : i32
    %dma_start3A_11 = tpu.memref_slice %arg6[%dma_start3A_10] : memref<512xi32, #tpu.memory_space<vmem>> -> memref<256xi32, #tpu.memory_space<vmem>>
    %dma_start3A_12 = arith.constant 0 : i32
    %dma_start3A_13 = tpu.memref_slice %arg3[%dma_start3A_12] : memref<262144xf32, #tpu.memory_space<hbm>> -> memref<262144xf32, #tpu.memory_space<hbm>>
    tpu.enqueue_indirect_dma source(%dma_start3A_13 : memref<262144xf32, #tpu.memory_space<hbm>>) target(%dma_start3A_9 : memref<256xf32, #tpu.memory_space<vmem>>) offsets(%dma_start3A_11 : memref<256xi32, #tpu.memory_space<vmem>>) semaphore(%arg11 : memref<!tpu.dma_semaphore, #tpu.memory_space<semaphore_mem>>)
    "tpu.region"() ({
      %run_scoped3A = tpu.sem_alloc : memref<!tpu.dma_semaphore, #tpu.memory_space<semaphore_mem>>
      %dma_start3A_432 = tpu.memref_slice %arg4[%mul3A_2] : memref<8192xf32, #tpu.memory_space<hbm>> -> memref<512xf32, #tpu.memory_space<hbm>>
      %dma_start3A_433 = tpu.memref_slice %arg4[%mul3A_2] : memref<8192xf32, #tpu.memory_space<hbm>> -> memref<512xf32, #tpu.memory_space<hbm>>
      tpu.enqueue_dma source(%dma_start3A_433 : memref<512xf32, #tpu.memory_space<hbm>>) target(%arg8 : memref<512xf32, #tpu.memory_space<vmem>>) target_semaphore(%run_scoped3A : memref<!tpu.dma_semaphore, #tpu.memory_space<semaphore_mem>>)
      %dma_wait3A_434 = tpu.memref_slice %arg4[%mul3A_2] : memref<8192xf32, #tpu.memory_space<hbm>> -> memref<512xf32, #tpu.memory_space<hbm>>
      %dma_wait3A_435 = tpu.memref_slice %arg4[%mul3A_2] : memref<8192xf32, #tpu.memory_space<hbm>> -> memref<512xf32, #tpu.memory_space<hbm>>
      tpu.wait_dma2 semaphore(%run_scoped3A : memref<!tpu.dma_semaphore, #tpu.memory_space<semaphore_mem>>) src(%dma_wait3A_435 : memref<512xf32, #tpu.memory_space<hbm>>) dst(%arg8 : memref<512xf32, #tpu.memory_space<vmem>>)
      tpu.yield
    }) : () -> ()
    %dma_wait3A = arith.constant 0 : i32
    %dma_wait3A_14 = tpu.memref_slice %arg7[%dma_wait3A] : memref<512xf32, #tpu.memory_space<vmem>> -> memref<256xf32, #tpu.memory_space<vmem>>
    %dma_wait3A_15 = arith.constant 0 : i32
    %dma_wait3A_16 = tpu.memref_slice %arg6[%dma_wait3A_15] : memref<512xi32, #tpu.memory_space<vmem>> -> memref<256xi32, #tpu.memory_space<vmem>>
    %dma_wait3A_17 = arith.constant 0 : i32
    %dma_wait3A_18 = tpu.memref_slice %arg3[%dma_wait3A_17] : memref<262144xf32, #tpu.memory_space<hbm>> -> memref<262144xf32, #tpu.memory_space<hbm>>
    tpu.wait_indirect_dma semaphore(%arg10 : memref<!tpu.dma_semaphore, #tpu.memory_space<semaphore_mem>>) src(%dma_wait3A_18 : memref<262144xf32, #tpu.memory_space<hbm>>) dst(%dma_wait3A_14 : memref<256xf32, #tpu.memory_space<vmem>>)
    %get3A = arith.constant 0 : index
    %get3A_19 = tpu.vector_load %arg7[%get3A] {strides = array<i32>} : memref<512xf32, #tpu.memory_space<vmem>>, vector<16xf32>,
    %get3A_20 = vector.shape_cast %get3A_19 : vector<16xf32> to vector<16xf32>
    %get3A_21 = arith.constant 0 : index
    %get3A_22 = tpu.vector_load %arg8[%get3A_21] {strides = array<i32>} : memref<512xf32, #tpu.memory_space<vmem>>, vector<16xf32>,
    %get3A_23 = vector.shape_cast %get3A_22 : vector<16xf32> to vector<16xf32>
    %add3A_24 = arith.addf %get3A_20, %get3A_23 : vector<16xf32>
    %exp3A = math.exp %add3A_24 : vector<16xf32>
    %swap3A = arith.constant 0 : index
    %swap3A_25 = tpu.vector_load %arg9[%swap3A] {strides = array<i32>} : memref<512xf32, #tpu.memory_space<vmem>>, vector<16xf32>,
    %swap3A_26 = vector.shape_cast %swap3A_25 : vector<16xf32> to vector<16xf32>
    %swap3A_27 = vector.shape_cast %exp3A : vector<16xf32> to vector<16xf32>
    tpu.vector_store %arg9[%swap3A], %swap3A_27 {strides = array<i32>} : memref<512xf32, #tpu.memory_space<vmem>>, vector<16xf32>,
    %get3A_28 = arith.constant 16 : index
    %get3A_29 = tpu.vector_load %arg7[%get3A_28] {strides = array<i32>} : memref<512xf32, #tpu.memory_space<vmem>>, vector<16xf32>,
    %get3A_30 = vector.shape_cast %get3A_29 : vector<16xf32> to vector<16xf32>
    %get3A_31 = arith.constant 16 : index
    %get3A_32 = tpu.vector_load %arg8[%get3A_31] {strides = array<i32>} : memref<512xf32, #tpu.memory_space<vmem>>, vector<16xf32>,
    %get3A_33 = vector.shape_cast %get3A_32 : vector<16xf32> to vector<16xf32>
    %add3A_34 = arith.addf %get3A_30, %get3A_33 : vector<16xf32>
    %exp3A_35 = math.exp %add3A_34 : vector<16xf32>
    %swap3A_36 = arith.constant 16 : index
    %swap3A_37 = tpu.vector_load %arg9[%swap3A_36] {strides = array<i32>} : memref<512xf32, #tpu.memory_space<vmem>>, vector<16xf32>,
    %swap3A_38 = vector.shape_cast %swap3A_37 : vector<16xf32> to vector<16xf32>
    %swap3A_39 = vector.shape_cast %exp3A_35 : vector<16xf32> to vector<16xf32>
    tpu.vector_store %arg9[%swap3A_36], %swap3A_39 {strides = array<i32>} : memref<512xf32, #tpu.memory_space<vmem>>, vector<16xf32>,
    %get3A_40 = arith.constant 32 : index
    %get3A_41 = tpu.vector_load %arg7[%get3A_40] {strides = array<i32>} : memref<512xf32, #tpu.memory_space<vmem>>, vector<16xf32>,
    %get3A_42 = vector.shape_cast %get3A_41 : vector<16xf32> to vector<16xf32>
    %get3A_43 = arith.constant 32 : index
    %get3A_44 = tpu.vector_load %arg8[%get3A_43] {strides = array<i32>} : memref<512xf32, #tpu.memory_space<vmem>>, vector<16xf32>,
    %get3A_45 = vector.shape_cast %get3A_44 : vector<16xf32> to vector<16xf32>
    %add3A_46 = arith.addf %get3A_42, %get3A_45 : vector<16xf32>
    %exp3A_47 = math.exp %add3A_46 : vector<16xf32>
    %swap3A_48 = arith.constant 32 : index
    %swap3A_49 = tpu.vector_load %arg9[%swap3A_48] {strides = array<i32>} : memref<512xf32, #tpu.memory_space<vmem>>, vector<16xf32>,
    %swap3A_50 = vector.shape_cast %swap3A_49 : vector<16xf32> to vector<16xf32>
    %swap3A_51 = vector.shape_cast %exp3A_47 : vector<16xf32> to vector<16xf32>
    tpu.vector_store %arg9[%swap3A_48], %swap3A_51 {strides = array<i32>} : memref<512xf32, #tpu.memory_space<vmem>>, vector<16xf32>,
    %get3A_52 = arith.constant 48 : index
    %get3A_53 = tpu.vector_load %arg7[%get3A_52] {strides = array<i32>} : memref<512xf32, #tpu.memory_space<vmem>>, vector<16xf32>,
    %get3A_54 = vector.shape_cast %get3A_53 : vector<16xf32> to vector<16xf32>
    %get3A_55 = arith.constant 48 : index
    %get3A_56 = tpu.vector_load %arg8[%get3A_55] {strides = array<i32>} : memref<512xf32, #tpu.memory_space<vmem>>, vector<16xf32>,
    %get3A_57 = vector.shape_cast %get3A_56 : vector<16xf32> to vector<16xf32>
    %add3A_58 = arith.addf %get3A_54, %get3A_57 : vector<16xf32>
    %exp3A_59 = math.exp %add3A_58 : vector<16xf32>
    %swap3A_60 = arith.constant 48 : index
    %swap3A_61 = tpu.vector_load %arg9[%swap3A_60] {strides = array<i32>} : memref<512xf32, #tpu.memory_space<vmem>>, vector<16xf32>,
    %swap3A_62 = vector.shape_cast %swap3A_61 : vector<16xf32> to vector<16xf32>
    %swap3A_63 = vector.shape_cast %exp3A_59 : vector<16xf32> to vector<16xf32>
    tpu.vector_store %arg9[%swap3A_60], %swap3A_63 {strides = array<i32>} : memref<512xf32, #tpu.memory_space<vmem>>, vector<16xf32>,
    %get3A_64 = arith.constant 64 : index
    %get3A_65 = tpu.vector_load %arg7[%get3A_64] {strides = array<i32>} : memref<512xf32, #tpu.memory_space<vmem>>, vector<16xf32>,
    %get3A_66 = vector.shape_cast %get3A_65 : vector<16xf32> to vector<16xf32>
    %get3A_67 = arith.constant 64 : index
    %get3A_68 = tpu.vector_load %arg8[%get3A_67] {strides = array<i32>} : memref<512xf32, #tpu.memory_space<vmem>>, vector<16xf32>,
    %get3A_69 = vector.shape_cast %get3A_68 : vector<16xf32> to vector<16xf32>
    %add3A_70 = arith.addf %get3A_66, %get3A_69 : vector<16xf32>
    %exp3A_71 = math.exp %add3A_70 : vector<16xf32>
    %swap3A_72 = arith.constant 64 : index
    %swap3A_73 = tpu.vector_load %arg9[%swap3A_72] {strides = array<i32>} : memref<512xf32, #tpu.memory_space<vmem>>, vector<16xf32>,
    %swap3A_74 = vector.shape_cast %swap3A_73 : vector<16xf32> to vector<16xf32>
    %swap3A_75 = vector.shape_cast %exp3A_71 : vector<16xf32> to vector<16xf32>
    tpu.vector_store %arg9[%swap3A_72], %swap3A_75 {strides = array<i32>} : memref<512xf32, #tpu.memory_space<vmem>>, vector<16xf32>,
    %get3A_76 = arith.constant 80 : index
    %get3A_77 = tpu.vector_load %arg7[%get3A_76] {strides = array<i32>} : memref<512xf32, #tpu.memory_space<vmem>>, vector<16xf32>,
    %get3A_78 = vector.shape_cast %get3A_77 : vector<16xf32> to vector<16xf32>
    %get3A_79 = arith.constant 80 : index
    %get3A_80 = tpu.vector_load %arg8[%get3A_79] {strides = array<i32>} : memref<512xf32, #tpu.memory_space<vmem>>, vector<16xf32>,
    %get3A_81 = vector.shape_cast %get3A_80 : vector<16xf32> to vector<16xf32>
    %add3A_82 = arith.addf %get3A_78, %get3A_81 : vector<16xf32>
    %exp3A_83 = math.exp %add3A_82 : vector<16xf32>
    %swap3A_84 = arith.constant 80 : index
    %swap3A_85 = tpu.vector_load %arg9[%swap3A_84] {strides = array<i32>} : memref<512xf32, #tpu.memory_space<vmem>>, vector<16xf32>,
    %swap3A_86 = vector.shape_cast %swap3A_85 : vector<16xf32> to vector<16xf32>
    %swap3A_87 = vector.shape_cast %exp3A_83 : vector<16xf32> to vector<16xf32>
    tpu.vector_store %arg9[%swap3A_84], %swap3A_87 {strides = array<i32>} : memref<512xf32, #tpu.memory_space<vmem>>, vector<16xf32>,
    %get3A_88 = arith.constant 96 : index
    %get3A_89 = tpu.vector_load %arg7[%get3A_88] {strides = array<i32>} : memref<512xf32, #tpu.memory_space<vmem>>, vector<16xf32>,
    %get3A_90 = vector.shape_cast %get3A_89 : vector<16xf32> to vector<16xf32>
    %get3A_91 = arith.constant 96 : index
    %get3A_92 = tpu.vector_load %arg8[%get3A_91] {strides = array<i32>} : memref<512xf32, #tpu.memory_space<vmem>>, vector<16xf32>,
    %get3A_93 = vector.shape_cast %get3A_92 : vector<16xf32> to vector<16xf32>
    %add3A_94 = arith.addf %get3A_90, %get3A_93 : vector<16xf32>
    %exp3A_95 = math.exp %add3A_94 : vector<16xf32>
    %swap3A_96 = arith.constant 96 : index
    %swap3A_97 = tpu.vector_load %arg9[%swap3A_96] {strides = array<i32>} : memref<512xf32, #tpu.memory_space<vmem>>, vector<16xf32>,
    %swap3A_98 = vector.shape_cast %swap3A_97 : vector<16xf32> to vector<16xf32>
    %swap3A_99 = vector.shape_cast %exp3A_95 : vector<16xf32> to vector<16xf32>
    tpu.vector_store %arg9[%swap3A_96], %swap3A_99 {strides = array<i32>} : memref<512xf32, #tpu.memory_space<vmem>>, vector<16xf32>,
    %get3A_100 = arith.constant 112 : index
    %get3A_101 = tpu.vector_load %arg7[%get3A_100] {strides = array<i32>} : memref<512xf32, #tpu.memory_space<vmem>>, vector<16xf32>,
    %get3A_102 = vector.shape_cast %get3A_101 : vector<16xf32> to vector<16xf32>
    %get3A_103 = arith.constant 112 : index
    %get3A_104 = tpu.vector_load %arg8[%get3A_103] {strides = array<i32>} : memref<512xf32, #tpu.memory_space<vmem>>, vector<16xf32>,
    %get3A_105 = vector.shape_cast %get3A_104 : vector<16xf32> to vector<16xf32>
    %add3A_106 = arith.addf %get3A_102, %get3A_105 : vector<16xf32>
    %exp3A_107 = math.exp %add3A_106 : vector<16xf32>
    %swap3A_108 = arith.constant 112 : index
    %swap3A_109 = tpu.vector_load %arg9[%swap3A_108] {strides = array<i32>} : memref<512xf32, #tpu.memory_space<vmem>>, vector<16xf32>,
    %swap3A_110 = vector.shape_cast %swap3A_109 : vector<16xf32> to vector<16xf32>
    %swap3A_111 = vector.shape_cast %exp3A_107 : vector<16xf32> to vector<16xf32>
    tpu.vector_store %arg9[%swap3A_108], %swap3A_111 {strides = array<i32>} : memref<512xf32, #tpu.memory_space<vmem>>, vector<16xf32>,
    %get3A_112 = arith.constant 128 : index
    %get3A_113 = tpu.vector_load %arg7[%get3A_112] {strides = array<i32>} : memref<512xf32, #tpu.memory_space<vmem>>, vector<16xf32>,
    %get3A_114 = vector.shape_cast %get3A_113 : vector<16xf32> to vector<16xf32>
    %get3A_115 = arith.constant 128 : index
    %get3A_116 = tpu.vector_load %arg8[%get3A_115] {strides = array<i32>} : memref<512xf32, #tpu.memory_space<vmem>>, vector<16xf32>,
    %get3A_117 = vector.shape_cast %get3A_116 : vector<16xf32> to vector<16xf32>
    %add3A_118 = arith.addf %get3A_114, %get3A_117 : vector<16xf32>
    %exp3A_119 = math.exp %add3A_118 : vector<16xf32>
    %swap3A_120 = arith.constant 128 : index
    %swap3A_121 = tpu.vector_load %arg9[%swap3A_120] {strides = array<i32>} : memref<512xf32, #tpu.memory_space<vmem>>, vector<16xf32>,
    %swap3A_122 = vector.shape_cast %swap3A_121 : vector<16xf32> to vector<16xf32>
    %swap3A_123 = vector.shape_cast %exp3A_119 : vector<16xf32> to vector<16xf32>
    tpu.vector_store %arg9[%swap3A_120], %swap3A_123 {strides = array<i32>} : memref<512xf32, #tpu.memory_space<vmem>>, vector<16xf32>,
    %get3A_124 = arith.constant 144 : index
    %get3A_125 = tpu.vector_load %arg7[%get3A_124] {strides = array<i32>} : memref<512xf32, #tpu.memory_space<vmem>>, vector<16xf32>,
    %get3A_126 = vector.shape_cast %get3A_125 : vector<16xf32> to vector<16xf32>
    %get3A_127 = arith.constant 144 : index
    %get3A_128 = tpu.vector_load %arg8[%get3A_127] {strides = array<i32>} : memref<512xf32, #tpu.memory_space<vmem>>, vector<16xf32>,
    %get3A_129 = vector.shape_cast %get3A_128 : vector<16xf32> to vector<16xf32>
    %add3A_130 = arith.addf %get3A_126, %get3A_129 : vector<16xf32>
    %exp3A_131 = math.exp %add3A_130 : vector<16xf32>
    %swap3A_132 = arith.constant 144 : index
    %swap3A_133 = tpu.vector_load %arg9[%swap3A_132] {strides = array<i32>} : memref<512xf32, #tpu.memory_space<vmem>>, vector<16xf32>,
    %swap3A_134 = vector.shape_cast %swap3A_133 : vector<16xf32> to vector<16xf32>
    %swap3A_135 = vector.shape_cast %exp3A_131 : vector<16xf32> to vector<16xf32>
    tpu.vector_store %arg9[%swap3A_132], %swap3A_135 {strides = array<i32>} : memref<512xf32, #tpu.memory_space<vmem>>, vector<16xf32>,
    %get3A_136 = arith.constant 160 : index
    %get3A_137 = tpu.vector_load %arg7[%get3A_136] {strides = array<i32>} : memref<512xf32, #tpu.memory_space<vmem>>, vector<16xf32>,
    %get3A_138 = vector.shape_cast %get3A_137 : vector<16xf32> to vector<16xf32>
    %get3A_139 = arith.constant 160 : index
    %get3A_140 = tpu.vector_load %arg8[%get3A_139] {strides = array<i32>} : memref<512xf32, #tpu.memory_space<vmem>>, vector<16xf32>,
    %get3A_141 = vector.shape_cast %get3A_140 : vector<16xf32> to vector<16xf32>
    %add3A_142 = arith.addf %get3A_138, %get3A_141 : vector<16xf32>
    %exp3A_143 = math.exp %add3A_142 : vector<16xf32>
    %swap3A_144 = arith.constant 160 : index
    %swap3A_145 = tpu.vector_load %arg9[%swap3A_144] {strides = array<i32>} : memref<512xf32, #tpu.memory_space<vmem>>, vector<16xf32>,
    %swap3A_146 = vector.shape_cast %swap3A_145 : vector<16xf32> to vector<16xf32>
    %swap3A_147 = vector.shape_cast %exp3A_143 : vector<16xf32> to vector<16xf32>
    tpu.vector_store %arg9[%swap3A_144], %swap3A_147 {strides = array<i32>} : memref<512xf32, #tpu.memory_space<vmem>>, vector<16xf32>,
    %get3A_148 = arith.constant 176 : index
    %get3A_149 = tpu.vector_load %arg7[%get3A_148] {strides = array<i32>} : memref<512xf32, #tpu.memory_space<vmem>>, vector<16xf32>,
    %get3A_150 = vector.shape_cast %get3A_149 : vector<16xf32> to vector<16xf32>
    %get3A_151 = arith.constant 176 : index
    %get3A_152 = tpu.vector_load %arg8[%get3A_151] {strides = array<i32>} : memref<512xf32, #tpu.memory_space<vmem>>, vector<16xf32>,
    %get3A_153 = vector.shape_cast %get3A_152 : vector<16xf32> to vector<16xf32>
    %add3A_154 = arith.addf %get3A_150, %get3A_153 : vector<16xf32>
    %exp3A_155 = math.exp %add3A_154 : vector<16xf32>
    %swap3A_156 = arith.constant 176 : index
    %swap3A_157 = tpu.vector_load %arg9[%swap3A_156] {strides = array<i32>} : memref<512xf32, #tpu.memory_space<vmem>>, vector<16xf32>,
    %swap3A_158 = vector.shape_cast %swap3A_157 : vector<16xf32> to vector<16xf32>
    %swap3A_159 = vector.shape_cast %exp3A_155 : vector<16xf32> to vector<16xf32>
    tpu.vector_store %arg9[%swap3A_156], %swap3A_159 {strides = array<i32>} : memref<512xf32, #tpu.memory_space<vmem>>, vector<16xf32>,
    %get3A_160 = arith.constant 192 : index
    %get3A_161 = tpu.vector_load %arg7[%get3A_160] {strides = array<i32>} : memref<512xf32, #tpu.memory_space<vmem>>, vector<16xf32>,
    %get3A_162 = vector.shape_cast %get3A_161 : vector<16xf32> to vector<16xf32>
    %get3A_163 = arith.constant 192 : index
    %get3A_164 = tpu.vector_load %arg8[%get3A_163] {strides = array<i32>} : memref<512xf32, #tpu.memory_space<vmem>>, vector<16xf32>,
    %get3A_165 = vector.shape_cast %get3A_164 : vector<16xf32> to vector<16xf32>
    %add3A_166 = arith.addf %get3A_162, %get3A_165 : vector<16xf32>
    %exp3A_167 = math.exp %add3A_166 : vector<16xf32>
    %swap3A_168 = arith.constant 192 : index
    %swap3A_169 = tpu.vector_load %arg9[%swap3A_168] {strides = array<i32>} : memref<512xf32, #tpu.memory_space<vmem>>, vector<16xf32>,
    %swap3A_170 = vector.shape_cast %swap3A_169 : vector<16xf32> to vector<16xf32>
    %swap3A_171 = vector.shape_cast %exp3A_167 : vector<16xf32> to vector<16xf32>
    tpu.vector_store %arg9[%swap3A_168], %swap3A_171 {strides = array<i32>} : memref<512xf32, #tpu.memory_space<vmem>>, vector<16xf32>,
    %get3A_172 = arith.constant 208 : index
    %get3A_173 = tpu.vector_load %arg7[%get3A_172] {strides = array<i32>} : memref<512xf32, #tpu.memory_space<vmem>>, vector<16xf32>,
    %get3A_174 = vector.shape_cast %get3A_173 : vector<16xf32> to vector<16xf32>
    %get3A_175 = arith.constant 208 : index
    %get3A_176 = tpu.vector_load %arg8[%get3A_175] {strides = array<i32>} : memref<512xf32, #tpu.memory_space<vmem>>, vector<16xf32>,
    %get3A_177 = vector.shape_cast %get3A_176 : vector<16xf32> to vector<16xf32>
    %add3A_178 = arith.addf %get3A_174, %get3A_177 : vector<16xf32>
    %exp3A_179 = math.exp %add3A_178 : vector<16xf32>
    %swap3A_180 = arith.constant 208 : index
    %swap3A_181 = tpu.vector_load %arg9[%swap3A_180] {strides = array<i32>} : memref<512xf32, #tpu.memory_space<vmem>>, vector<16xf32>,
    %swap3A_182 = vector.shape_cast %swap3A_181 : vector<16xf32> to vector<16xf32>
    %swap3A_183 = vector.shape_cast %exp3A_179 : vector<16xf32> to vector<16xf32>
    tpu.vector_store %arg9[%swap3A_180], %swap3A_183 {strides = array<i32>} : memref<512xf32, #tpu.memory_space<vmem>>, vector<16xf32>,
    %get3A_184 = arith.constant 224 : index
    %get3A_185 = tpu.vector_load %arg7[%get3A_184] {strides = array<i32>} : memref<512xf32, #tpu.memory_space<vmem>>, vector<16xf32>,
    %get3A_186 = vector.shape_cast %get3A_185 : vector<16xf32> to vector<16xf32>
    %get3A_187 = arith.constant 224 : index
    %get3A_188 = tpu.vector_load %arg8[%get3A_187] {strides = array<i32>} : memref<512xf32, #tpu.memory_space<vmem>>, vector<16xf32>,
    %get3A_189 = vector.shape_cast %get3A_188 : vector<16xf32> to vector<16xf32>
    %add3A_190 = arith.addf %get3A_186, %get3A_189 : vector<16xf32>
    %exp3A_191 = math.exp %add3A_190 : vector<16xf32>
    %swap3A_192 = arith.constant 224 : index
    %swap3A_193 = tpu.vector_load %arg9[%swap3A_192] {strides = array<i32>} : memref<512xf32, #tpu.memory_space<vmem>>, vector<16xf32>,
    %swap3A_194 = vector.shape_cast %swap3A_193 : vector<16xf32> to vector<16xf32>
    %swap3A_195 = vector.shape_cast %exp3A_191 : vector<16xf32> to vector<16xf32>
    tpu.vector_store %arg9[%swap3A_192], %swap3A_195 {strides = array<i32>} : memref<512xf32, #tpu.memory_space<vmem>>, vector<16xf32>,
    %get3A_196 = arith.constant 240 : index
    %get3A_197 = tpu.vector_load %arg7[%get3A_196] {strides = array<i32>} : memref<512xf32, #tpu.memory_space<vmem>>, vector<16xf32>,
    %get3A_198 = vector.shape_cast %get3A_197 : vector<16xf32> to vector<16xf32>
    %get3A_199 = arith.constant 240 : index
    %get3A_200 = tpu.vector_load %arg8[%get3A_199] {strides = array<i32>} : memref<512xf32, #tpu.memory_space<vmem>>, vector<16xf32>,
    %get3A_201 = vector.shape_cast %get3A_200 : vector<16xf32> to vector<16xf32>
    %add3A_202 = arith.addf %get3A_198, %get3A_201 : vector<16xf32>
    %exp3A_203 = math.exp %add3A_202 : vector<16xf32>
    %swap3A_204 = arith.constant 240 : index
    %swap3A_205 = tpu.vector_load %arg9[%swap3A_204] {strides = array<i32>} : memref<512xf32, #tpu.memory_space<vmem>>, vector<16xf32>,
    %swap3A_206 = vector.shape_cast %swap3A_205 : vector<16xf32> to vector<16xf32>
    %swap3A_207 = vector.shape_cast %exp3A_203 : vector<16xf32> to vector<16xf32>
    tpu.vector_store %arg9[%swap3A_204], %swap3A_207 {strides = array<i32>} : memref<512xf32, #tpu.memory_space<vmem>>, vector<16xf32>,
    %dma_start3A_208 = arith.constant 0 : i32
    %dma_start3A_209 = tpu.memref_slice %arg9[%dma_start3A_208] : memref<512xf32, #tpu.memory_space<vmem>> -> memref<256xf32, #tpu.memory_space<vmem>>
    %dma_start3A_210 = tpu.memref_slice %arg5[%mul3A_2] : memref<8192xf32, #tpu.memory_space<hbm>> -> memref<256xf32, #tpu.memory_space<hbm>>
    %dma_start3A_211 = tpu.memref_slice %arg5[%mul3A_2] : memref<8192xf32, #tpu.memory_space<hbm>> -> memref<256xf32, #tpu.memory_space<hbm>>
    %dma_start3A_212 = arith.constant 0 : i32
    %dma_start3A_213 = tpu.memref_slice %arg9[%dma_start3A_212] : memref<512xf32, #tpu.memory_space<vmem>> -> memref<256xf32, #tpu.memory_space<vmem>>
    tpu.enqueue_dma source(%dma_start3A_213 : memref<256xf32, #tpu.memory_space<vmem>>) target(%dma_start3A_211 : memref<256xf32, #tpu.memory_space<hbm>>) target_semaphore(%arg12 : memref<!tpu.dma_semaphore, #tpu.memory_space<semaphore_mem>>)
    %dma_wait3A_214 = arith.constant 256 : i32
    %dma_wait3A_215 = tpu.memref_slice %arg7[%dma_wait3A_214] : memref<512xf32, #tpu.memory_space<vmem>> -> memref<256xf32, #tpu.memory_space<vmem>>
    %dma_wait3A_216 = arith.constant 256 : i32
    %dma_wait3A_217 = tpu.memref_slice %arg6[%dma_wait3A_216] : memref<512xi32, #tpu.memory_space<vmem>> -> memref<256xi32, #tpu.memory_space<vmem>>
    %dma_wait3A_218 = arith.constant 0 : i32
    %dma_wait3A_219 = tpu.memref_slice %arg3[%dma_wait3A_218] : memref<262144xf32, #tpu.memory_space<hbm>> -> memref<262144xf32, #tpu.memory_space<hbm>>
    tpu.wait_indirect_dma semaphore(%arg11 : memref<!tpu.dma_semaphore, #tpu.memory_space<semaphore_mem>>) src(%dma_wait3A_219 : memref<262144xf32, #tpu.memory_space<hbm>>) dst(%dma_wait3A_215 : memref<256xf32, #tpu.memory_space<vmem>>)
    %get3A_220 = arith.constant 256 : index
    %get3A_221 = tpu.vector_load %arg7[%get3A_220] {strides = array<i32>} : memref<512xf32, #tpu.memory_space<vmem>>, vector<16xf32>,
    %get3A_222 = vector.shape_cast %get3A_221 : vector<16xf32> to vector<16xf32>
    %get3A_223 = arith.constant 256 : index
    %get3A_224 = tpu.vector_load %arg8[%get3A_223] {strides = array<i32>} : memref<512xf32, #tpu.memory_space<vmem>>, vector<16xf32>,
    %get3A_225 = vector.shape_cast %get3A_224 : vector<16xf32> to vector<16xf32>
    %add3A_226 = arith.addf %get3A_222, %get3A_225 : vector<16xf32>
    %exp3A_227 = math.exp %add3A_226 : vector<16xf32>
    %swap3A_228 = arith.constant 256 : index
    %swap3A_229 = tpu.vector_load %arg9[%swap3A_228] {strides = array<i32>} : memref<512xf32, #tpu.memory_space<vmem>>, vector<16xf32>,
    %swap3A_230 = vector.shape_cast %swap3A_229 : vector<16xf32> to vector<16xf32>
    %swap3A_231 = vector.shape_cast %exp3A_227 : vector<16xf32> to vector<16xf32>
    tpu.vector_store %arg9[%swap3A_228], %swap3A_231 {strides = array<i32>} : memref<512xf32, #tpu.memory_space<vmem>>, vector<16xf32>,
    %get3A_232 = arith.constant 272 : index
    %get3A_233 = tpu.vector_load %arg7[%get3A_232] {strides = array<i32>} : memref<512xf32, #tpu.memory_space<vmem>>, vector<16xf32>,
    %get3A_234 = vector.shape_cast %get3A_233 : vector<16xf32> to vector<16xf32>
    %get3A_235 = arith.constant 272 : index
    %get3A_236 = tpu.vector_load %arg8[%get3A_235] {strides = array<i32>} : memref<512xf32, #tpu.memory_space<vmem>>, vector<16xf32>,
    %get3A_237 = vector.shape_cast %get3A_236 : vector<16xf32> to vector<16xf32>
    %add3A_238 = arith.addf %get3A_234, %get3A_237 : vector<16xf32>
    %exp3A_239 = math.exp %add3A_238 : vector<16xf32>
    %swap3A_240 = arith.constant 272 : index
    %swap3A_241 = tpu.vector_load %arg9[%swap3A_240] {strides = array<i32>} : memref<512xf32, #tpu.memory_space<vmem>>, vector<16xf32>,
    %swap3A_242 = vector.shape_cast %swap3A_241 : vector<16xf32> to vector<16xf32>
    %swap3A_243 = vector.shape_cast %exp3A_239 : vector<16xf32> to vector<16xf32>
    tpu.vector_store %arg9[%swap3A_240], %swap3A_243 {strides = array<i32>} : memref<512xf32, #tpu.memory_space<vmem>>, vector<16xf32>,
    %get3A_244 = arith.constant 288 : index
    %get3A_245 = tpu.vector_load %arg7[%get3A_244] {strides = array<i32>} : memref<512xf32, #tpu.memory_space<vmem>>, vector<16xf32>,
    %get3A_246 = vector.shape_cast %get3A_245 : vector<16xf32> to vector<16xf32>
    %get3A_247 = arith.constant 288 : index
    %get3A_248 = tpu.vector_load %arg8[%get3A_247] {strides = array<i32>} : memref<512xf32, #tpu.memory_space<vmem>>, vector<16xf32>,
    %get3A_249 = vector.shape_cast %get3A_248 : vector<16xf32> to vector<16xf32>
    %add3A_250 = arith.addf %get3A_246, %get3A_249 : vector<16xf32>
    %exp3A_251 = math.exp %add3A_250 : vector<16xf32>
    %swap3A_252 = arith.constant 288 : index
    %swap3A_253 = tpu.vector_load %arg9[%swap3A_252] {strides = array<i32>} : memref<512xf32, #tpu.memory_space<vmem>>, vector<16xf32>,
    %swap3A_254 = vector.shape_cast %swap3A_253 : vector<16xf32> to vector<16xf32>
    %swap3A_255 = vector.shape_cast %exp3A_251 : vector<16xf32> to vector<16xf32>
    tpu.vector_store %arg9[%swap3A_252], %swap3A_255 {strides = array<i32>} : memref<512xf32, #tpu.memory_space<vmem>>, vector<16xf32>,
    %get3A_256 = arith.constant 304 : index
    %get3A_257 = tpu.vector_load %arg7[%get3A_256] {strides = array<i32>} : memref<512xf32, #tpu.memory_space<vmem>>, vector<16xf32>,
    %get3A_258 = vector.shape_cast %get3A_257 : vector<16xf32> to vector<16xf32>
    %get3A_259 = arith.constant 304 : index
    %get3A_260 = tpu.vector_load %arg8[%get3A_259] {strides = array<i32>} : memref<512xf32, #tpu.memory_space<vmem>>, vector<16xf32>,
    %get3A_261 = vector.shape_cast %get3A_260 : vector<16xf32> to vector<16xf32>
    %add3A_262 = arith.addf %get3A_258, %get3A_261 : vector<16xf32>
    %exp3A_263 = math.exp %add3A_262 : vector<16xf32>
    %swap3A_264 = arith.constant 304 : index
    %swap3A_265 = tpu.vector_load %arg9[%swap3A_264] {strides = array<i32>} : memref<512xf32, #tpu.memory_space<vmem>>, vector<16xf32>,
    %swap3A_266 = vector.shape_cast %swap3A_265 : vector<16xf32> to vector<16xf32>
    %swap3A_267 = vector.shape_cast %exp3A_263 : vector<16xf32> to vector<16xf32>
    tpu.vector_store %arg9[%swap3A_264], %swap3A_267 {strides = array<i32>} : memref<512xf32, #tpu.memory_space<vmem>>, vector<16xf32>,
    %get3A_268 = arith.constant 320 : index
    %get3A_269 = tpu.vector_load %arg7[%get3A_268] {strides = array<i32>} : memref<512xf32, #tpu.memory_space<vmem>>, vector<16xf32>,
    %get3A_270 = vector.shape_cast %get3A_269 : vector<16xf32> to vector<16xf32>
    %get3A_271 = arith.constant 320 : index
    %get3A_272 = tpu.vector_load %arg8[%get3A_271] {strides = array<i32>} : memref<512xf32, #tpu.memory_space<vmem>>, vector<16xf32>,
    %get3A_273 = vector.shape_cast %get3A_272 : vector<16xf32> to vector<16xf32>
    %add3A_274 = arith.addf %get3A_270, %get3A_273 : vector<16xf32>
    %exp3A_275 = math.exp %add3A_274 : vector<16xf32>
    %swap3A_276 = arith.constant 320 : index
    %swap3A_277 = tpu.vector_load %arg9[%swap3A_276] {strides = array<i32>} : memref<512xf32, #tpu.memory_space<vmem>>, vector<16xf32>,
    %swap3A_278 = vector.shape_cast %swap3A_277 : vector<16xf32> to vector<16xf32>
    %swap3A_279 = vector.shape_cast %exp3A_275 : vector<16xf32> to vector<16xf32>
    tpu.vector_store %arg9[%swap3A_276], %swap3A_279 {strides = array<i32>} : memref<512xf32, #tpu.memory_space<vmem>>, vector<16xf32>,
    %get3A_280 = arith.constant 336 : index
    %get3A_281 = tpu.vector_load %arg7[%get3A_280] {strides = array<i32>} : memref<512xf32, #tpu.memory_space<vmem>>, vector<16xf32>,
    %get3A_282 = vector.shape_cast %get3A_281 : vector<16xf32> to vector<16xf32>
    %get3A_283 = arith.constant 336 : index
    %get3A_284 = tpu.vector_load %arg8[%get3A_283] {strides = array<i32>} : memref<512xf32, #tpu.memory_space<vmem>>, vector<16xf32>,
    %get3A_285 = vector.shape_cast %get3A_284 : vector<16xf32> to vector<16xf32>
    %add3A_286 = arith.addf %get3A_282, %get3A_285 : vector<16xf32>
    %exp3A_287 = math.exp %add3A_286 : vector<16xf32>
    %swap3A_288 = arith.constant 336 : index
    %swap3A_289 = tpu.vector_load %arg9[%swap3A_288] {strides = array<i32>} : memref<512xf32, #tpu.memory_space<vmem>>, vector<16xf32>,
    %swap3A_290 = vector.shape_cast %swap3A_289 : vector<16xf32> to vector<16xf32>
    %swap3A_291 = vector.shape_cast %exp3A_287 : vector<16xf32> to vector<16xf32>
    tpu.vector_store %arg9[%swap3A_288], %swap3A_291 {strides = array<i32>} : memref<512xf32, #tpu.memory_space<vmem>>, vector<16xf32>,
    %get3A_292 = arith.constant 352 : index
    %get3A_293 = tpu.vector_load %arg7[%get3A_292] {strides = array<i32>} : memref<512xf32, #tpu.memory_space<vmem>>, vector<16xf32>,
    %get3A_294 = vector.shape_cast %get3A_293 : vector<16xf32> to vector<16xf32>
    %get3A_295 = arith.constant 352 : index
    %get3A_296 = tpu.vector_load %arg8[%get3A_295] {strides = array<i32>} : memref<512xf32, #tpu.memory_space<vmem>>, vector<16xf32>,
    %get3A_297 = vector.shape_cast %get3A_296 : vector<16xf32> to vector<16xf32>
    %add3A_298 = arith.addf %get3A_294, %get3A_297 : vector<16xf32>
    %exp3A_299 = math.exp %add3A_298 : vector<16xf32>
    %swap3A_300 = arith.constant 352 : index
    %swap3A_301 = tpu.vector_load %arg9[%swap3A_300] {strides = array<i32>} : memref<512xf32, #tpu.memory_space<vmem>>, vector<16xf32>,
    %swap3A_302 = vector.shape_cast %swap3A_301 : vector<16xf32> to vector<16xf32>
    %swap3A_303 = vector.shape_cast %exp3A_299 : vector<16xf32> to vector<16xf32>
    tpu.vector_store %arg9[%swap3A_300], %swap3A_303 {strides = array<i32>} : memref<512xf32, #tpu.memory_space<vmem>>, vector<16xf32>,
    %get3A_304 = arith.constant 368 : index
    %get3A_305 = tpu.vector_load %arg7[%get3A_304] {strides = array<i32>} : memref<512xf32, #tpu.memory_space<vmem>>, vector<16xf32>,
    %get3A_306 = vector.shape_cast %get3A_305 : vector<16xf32> to vector<16xf32>
    %get3A_307 = arith.constant 368 : index
    %get3A_308 = tpu.vector_load %arg8[%get3A_307] {strides = array<i32>} : memref<512xf32, #tpu.memory_space<vmem>>, vector<16xf32>,
    %get3A_309 = vector.shape_cast %get3A_308 : vector<16xf32> to vector<16xf32>
    %add3A_310 = arith.addf %get3A_306, %get3A_309 : vector<16xf32>
    %exp3A_311 = math.exp %add3A_310 : vector<16xf32>
    %swap3A_312 = arith.constant 368 : index
    %swap3A_313 = tpu.vector_load %arg9[%swap3A_312] {strides = array<i32>} : memref<512xf32, #tpu.memory_space<vmem>>, vector<16xf32>,
    %swap3A_314 = vector.shape_cast %swap3A_313 : vector<16xf32> to vector<16xf32>
    %swap3A_315 = vector.shape_cast %exp3A_311 : vector<16xf32> to vector<16xf32>
    tpu.vector_store %arg9[%swap3A_312], %swap3A_315 {strides = array<i32>} : memref<512xf32, #tpu.memory_space<vmem>>, vector<16xf32>,
    %get3A_316 = arith.constant 384 : index
    %get3A_317 = tpu.vector_load %arg7[%get3A_316] {strides = array<i32>} : memref<512xf32, #tpu.memory_space<vmem>>, vector<16xf32>,
    %get3A_318 = vector.shape_cast %get3A_317 : vector<16xf32> to vector<16xf32>
    %get3A_319 = arith.constant 384 : index
    %get3A_320 = tpu.vector_load %arg8[%get3A_319] {strides = array<i32>} : memref<512xf32, #tpu.memory_space<vmem>>, vector<16xf32>,
    %get3A_321 = vector.shape_cast %get3A_320 : vector<16xf32> to vector<16xf32>
    %add3A_322 = arith.addf %get3A_318, %get3A_321 : vector<16xf32>
    %exp3A_323 = math.exp %add3A_322 : vector<16xf32>
    %swap3A_324 = arith.constant 384 : index
    %swap3A_325 = tpu.vector_load %arg9[%swap3A_324] {strides = array<i32>} : memref<512xf32, #tpu.memory_space<vmem>>, vector<16xf32>,
    %swap3A_326 = vector.shape_cast %swap3A_325 : vector<16xf32> to vector<16xf32>
    %swap3A_327 = vector.shape_cast %exp3A_323 : vector<16xf32> to vector<16xf32>
    tpu.vector_store %arg9[%swap3A_324], %swap3A_327 {strides = array<i32>} : memref<512xf32, #tpu.memory_space<vmem>>, vector<16xf32>,
    %get3A_328 = arith.constant 400 : index
    %get3A_329 = tpu.vector_load %arg7[%get3A_328] {strides = array<i32>} : memref<512xf32, #tpu.memory_space<vmem>>, vector<16xf32>,
    %get3A_330 = vector.shape_cast %get3A_329 : vector<16xf32> to vector<16xf32>
    %get3A_331 = arith.constant 400 : index
    %get3A_332 = tpu.vector_load %arg8[%get3A_331] {strides = array<i32>} : memref<512xf32, #tpu.memory_space<vmem>>, vector<16xf32>,
    %get3A_333 = vector.shape_cast %get3A_332 : vector<16xf32> to vector<16xf32>
    %add3A_334 = arith.addf %get3A_330, %get3A_333 : vector<16xf32>
    %exp3A_335 = math.exp %add3A_334 : vector<16xf32>
    %swap3A_336 = arith.constant 400 : index
    %swap3A_337 = tpu.vector_load %arg9[%swap3A_336] {strides = array<i32>} : memref<512xf32, #tpu.memory_space<vmem>>, vector<16xf32>,
    %swap3A_338 = vector.shape_cast %swap3A_337 : vector<16xf32> to vector<16xf32>
    %swap3A_339 = vector.shape_cast %exp3A_335 : vector<16xf32> to vector<16xf32>
    tpu.vector_store %arg9[%swap3A_336], %swap3A_339 {strides = array<i32>} : memref<512xf32, #tpu.memory_space<vmem>>, vector<16xf32>,
    %get3A_340 = arith.constant 416 : index
    %get3A_341 = tpu.vector_load %arg7[%get3A_340] {strides = array<i32>} : memref<512xf32, #tpu.memory_space<vmem>>, vector<16xf32>,
    %get3A_342 = vector.shape_cast %get3A_341 : vector<16xf32> to vector<16xf32>
    %get3A_343 = arith.constant 416 : index
    %get3A_344 = tpu.vector_load %arg8[%get3A_343] {strides = array<i32>} : memref<512xf32, #tpu.memory_space<vmem>>, vector<16xf32>,
    %get3A_345 = vector.shape_cast %get3A_344 : vector<16xf32> to vector<16xf32>
    %add3A_346 = arith.addf %get3A_342, %get3A_345 : vector<16xf32>
    %exp3A_347 = math.exp %add3A_346 : vector<16xf32>
    %swap3A_348 = arith.constant 416 : index
    %swap3A_349 = tpu.vector_load %arg9[%swap3A_348] {strides = array<i32>} : memref<512xf32, #tpu.memory_space<vmem>>, vector<16xf32>,
    %swap3A_350 = vector.shape_cast %swap3A_349 : vector<16xf32> to vector<16xf32>
    %swap3A_351 = vector.shape_cast %exp3A_347 : vector<16xf32> to vector<16xf32>
    tpu.vector_store %arg9[%swap3A_348], %swap3A_351 {strides = array<i32>} : memref<512xf32, #tpu.memory_space<vmem>>, vector<16xf32>,
    %get3A_352 = arith.constant 432 : index
    %get3A_353 = tpu.vector_load %arg7[%get3A_352] {strides = array<i32>} : memref<512xf32, #tpu.memory_space<vmem>>, vector<16xf32>,
    %get3A_354 = vector.shape_cast %get3A_353 : vector<16xf32> to vector<16xf32>
    %get3A_355 = arith.constant 432 : index
    %get3A_356 = tpu.vector_load %arg8[%get3A_355] {strides = array<i32>} : memref<512xf32, #tpu.memory_space<vmem>>, vector<16xf32>,
    %get3A_357 = vector.shape_cast %get3A_356 : vector<16xf32> to vector<16xf32>
    %add3A_358 = arith.addf %get3A_354, %get3A_357 : vector<16xf32>
    %exp3A_359 = math.exp %add3A_358 : vector<16xf32>
    %swap3A_360 = arith.constant 432 : index
    %swap3A_361 = tpu.vector_load %arg9[%swap3A_360] {strides = array<i32>} : memref<512xf32, #tpu.memory_space<vmem>>, vector<16xf32>,
    %swap3A_362 = vector.shape_cast %swap3A_361 : vector<16xf32> to vector<16xf32>
    %swap3A_363 = vector.shape_cast %exp3A_359 : vector<16xf32> to vector<16xf32>
    tpu.vector_store %arg9[%swap3A_360], %swap3A_363 {strides = array<i32>} : memref<512xf32, #tpu.memory_space<vmem>>, vector<16xf32>,
    %get3A_364 = arith.constant 448 : index
    %get3A_365 = tpu.vector_load %arg7[%get3A_364] {strides = array<i32>} : memref<512xf32, #tpu.memory_space<vmem>>, vector<16xf32>,
    %get3A_366 = vector.shape_cast %get3A_365 : vector<16xf32> to vector<16xf32>
    %get3A_367 = arith.constant 448 : index
    %get3A_368 = tpu.vector_load %arg8[%get3A_367] {strides = array<i32>} : memref<512xf32, #tpu.memory_space<vmem>>, vector<16xf32>,
    %get3A_369 = vector.shape_cast %get3A_368 : vector<16xf32> to vector<16xf32>
    %add3A_370 = arith.addf %get3A_366, %get3A_369 : vector<16xf32>
    %exp3A_371 = math.exp %add3A_370 : vector<16xf32>
    %swap3A_372 = arith.constant 448 : index
    %swap3A_373 = tpu.vector_load %arg9[%swap3A_372] {strides = array<i32>} : memref<512xf32, #tpu.memory_space<vmem>>, vector<16xf32>,
    %swap3A_374 = vector.shape_cast %swap3A_373 : vector<16xf32> to vector<16xf32>
    %swap3A_375 = vector.shape_cast %exp3A_371 : vector<16xf32> to vector<16xf32>
    tpu.vector_store %arg9[%swap3A_372], %swap3A_375 {strides = array<i32>} : memref<512xf32, #tpu.memory_space<vmem>>, vector<16xf32>,
    %get3A_376 = arith.constant 464 : index
    %get3A_377 = tpu.vector_load %arg7[%get3A_376] {strides = array<i32>} : memref<512xf32, #tpu.memory_space<vmem>>, vector<16xf32>,
    %get3A_378 = vector.shape_cast %get3A_377 : vector<16xf32> to vector<16xf32>
    %get3A_379 = arith.constant 464 : index
    %get3A_380 = tpu.vector_load %arg8[%get3A_379] {strides = array<i32>} : memref<512xf32, #tpu.memory_space<vmem>>, vector<16xf32>,
    %get3A_381 = vector.shape_cast %get3A_380 : vector<16xf32> to vector<16xf32>
    %add3A_382 = arith.addf %get3A_378, %get3A_381 : vector<16xf32>
    %exp3A_383 = math.exp %add3A_382 : vector<16xf32>
    %swap3A_384 = arith.constant 464 : index
    %swap3A_385 = tpu.vector_load %arg9[%swap3A_384] {strides = array<i32>} : memref<512xf32, #tpu.memory_space<vmem>>, vector<16xf32>,
    %swap3A_386 = vector.shape_cast %swap3A_385 : vector<16xf32> to vector<16xf32>
    %swap3A_387 = vector.shape_cast %exp3A_383 : vector<16xf32> to vector<16xf32>
    tpu.vector_store %arg9[%swap3A_384], %swap3A_387 {strides = array<i32>} : memref<512xf32, #tpu.memory_space<vmem>>, vector<16xf32>,
    %get3A_388 = arith.constant 480 : index
    %get3A_389 = tpu.vector_load %arg7[%get3A_388] {strides = array<i32>} : memref<512xf32, #tpu.memory_space<vmem>>, vector<16xf32>,
    %get3A_390 = vector.shape_cast %get3A_389 : vector<16xf32> to vector<16xf32>
    %get3A_391 = arith.constant 480 : index
    %get3A_392 = tpu.vector_load %arg8[%get3A_391] {strides = array<i32>} : memref<512xf32, #tpu.memory_space<vmem>>, vector<16xf32>,
    %get3A_393 = vector.shape_cast %get3A_392 : vector<16xf32> to vector<16xf32>
    %add3A_394 = arith.addf %get3A_390, %get3A_393 : vector<16xf32>
    %exp3A_395 = math.exp %add3A_394 : vector<16xf32>
    %swap3A_396 = arith.constant 480 : index
    %swap3A_397 = tpu.vector_load %arg9[%swap3A_396] {strides = array<i32>} : memref<512xf32, #tpu.memory_space<vmem>>, vector<16xf32>,
    %swap3A_398 = vector.shape_cast %swap3A_397 : vector<16xf32> to vector<16xf32>
    %swap3A_399 = vector.shape_cast %exp3A_395 : vector<16xf32> to vector<16xf32>
    tpu.vector_store %arg9[%swap3A_396], %swap3A_399 {strides = array<i32>} : memref<512xf32, #tpu.memory_space<vmem>>, vector<16xf32>,
    %get3A_400 = arith.constant 496 : index
    %get3A_401 = tpu.vector_load %arg7[%get3A_400] {strides = array<i32>} : memref<512xf32, #tpu.memory_space<vmem>>, vector<16xf32>,
    %get3A_402 = vector.shape_cast %get3A_401 : vector<16xf32> to vector<16xf32>
    %get3A_403 = arith.constant 496 : index
    %get3A_404 = tpu.vector_load %arg8[%get3A_403] {strides = array<i32>} : memref<512xf32, #tpu.memory_space<vmem>>, vector<16xf32>,
    %get3A_405 = vector.shape_cast %get3A_404 : vector<16xf32> to vector<16xf32>
    %add3A_406 = arith.addf %get3A_402, %get3A_405 : vector<16xf32>
    %exp3A_407 = math.exp %add3A_406 : vector<16xf32>
    %swap3A_408 = arith.constant 496 : index
    %swap3A_409 = tpu.vector_load %arg9[%swap3A_408] {strides = array<i32>} : memref<512xf32, #tpu.memory_space<vmem>>, vector<16xf32>,
    %swap3A_410 = vector.shape_cast %swap3A_409 : vector<16xf32> to vector<16xf32>
    %swap3A_411 = vector.shape_cast %exp3A_407 : vector<16xf32> to vector<16xf32>
    tpu.vector_store %arg9[%swap3A_408], %swap3A_411 {strides = array<i32>} : memref<512xf32, #tpu.memory_space<vmem>>, vector<16xf32>,
    %add3A_412 = arith.constant 256 : i32
    %add3A_413 = arith.addi %mul3A_2, %add3A_412 : i32
    %dma_start3A_414 = arith.constant 256 : i32
    %dma_start3A_415 = tpu.memref_slice %arg9[%dma_start3A_414] : memref<512xf32, #tpu.memory_space<vmem>> -> memref<256xf32, #tpu.memory_space<vmem>>
    %dma_start3A_416 = tpu.memref_slice %arg5[%add3A_413] : memref<8192xf32, #tpu.memory_space<hbm>> -> memref<256xf32, #tpu.memory_space<hbm>>
    %dma_start3A_417 = tpu.memref_slice %arg5[%add3A_413] : memref<8192xf32, #tpu.memory_space<hbm>> -> memref<256xf32, #tpu.memory_space<hbm>>
    %dma_start3A_418 = arith.constant 256 : i32
    %dma_start3A_419 = tpu.memref_slice %arg9[%dma_start3A_418] : memref<512xf32, #tpu.memory_space<vmem>> -> memref<256xf32, #tpu.memory_space<vmem>>
    tpu.enqueue_dma source(%dma_start3A_419 : memref<256xf32, #tpu.memory_space<vmem>>) target(%dma_start3A_417 : memref<256xf32, #tpu.memory_space<hbm>>) target_semaphore(%arg12 : memref<!tpu.dma_semaphore, #tpu.memory_space<semaphore_mem>>)
    %dma_wait3A_420 = arith.constant 0 : i32
    %dma_wait3A_421 = tpu.memref_slice %arg9[%dma_wait3A_420] : memref<512xf32, #tpu.memory_space<vmem>> -> memref<256xf32, #tpu.memory_space<vmem>>
    %dma_wait3A_422 = tpu.memref_slice %arg5[%mul3A_2] : memref<8192xf32, #tpu.memory_space<hbm>> -> memref<256xf32, #tpu.memory_space<hbm>>
    %dma_wait3A_423 = tpu.memref_slice %arg5[%mul3A_2] : memref<8192xf32, #tpu.memory_space<hbm>> -> memref<256xf32, #tpu.memory_space<hbm>>
    %dma_wait3A_424 = arith.constant 0 : i32
    %dma_wait3A_425 = tpu.memref_slice %arg9[%dma_wait3A_424] : memref<512xf32, #tpu.memory_space<vmem>> -> memref<256xf32, #tpu.memory_space<vmem>>
    tpu.wait_dma2 semaphore(%arg12 : memref<!tpu.dma_semaphore, #tpu.memory_space<semaphore_mem>>) src(%dma_wait3A_425 : memref<256xf32, #tpu.memory_space<vmem>>) dst(%dma_wait3A_423 : memref<256xf32, #tpu.memory_space<hbm>>)
    %dma_wait3A_426 = arith.constant 256 : i32
    %dma_wait3A_427 = tpu.memref_slice %arg9[%dma_wait3A_426] : memref<512xf32, #tpu.memory_space<vmem>> -> memref<256xf32, #tpu.memory_space<vmem>>
    %dma_wait3A_428 = tpu.memref_slice %arg5[%add3A_413] : memref<8192xf32, #tpu.memory_space<hbm>> -> memref<256xf32, #tpu.memory_space<hbm>>
    %dma_wait3A_429 = tpu.memref_slice %arg5[%add3A_413] : memref<8192xf32, #tpu.memory_space<hbm>> -> memref<256xf32, #tpu.memory_space<hbm>>
    %dma_wait3A_430 = arith.constant 256 : i32
    %dma_wait3A_431 = tpu.memref_slice %arg9[%dma_wait3A_430] : memref<512xf32, #tpu.memory_space<vmem>> -> memref<256xf32, #tpu.memory_space<vmem>>
    tpu.wait_dma2 semaphore(%arg12 : memref<!tpu.dma_semaphore, #tpu.memory_space<semaphore_mem>>) src(%dma_wait3A_431 : memref<256xf32, #tpu.memory_space<vmem>>) dst(%dma_wait3A_429 : memref<256xf32, #tpu.memory_space<hbm>>)
    return
  }
}

</mosaic_0001>

<sc_bundles>
// kernel: kernel.3.cloned.1.call-start
scs
__scs_entry_jumppad:
0x0: {  	(pc) =	sbr.rel $0x88, $3  }
0x1: {  	(tag) =	ssettag $0x0;
	lr =	simm.s32 $0x1  }
0x2: {  	[smem:$0x3F9E] =	sst lr;
	_ =	strace $0xD0000000  }
0x3: {  	_ = 	snop  }
0x4: {  	_ = 	snop  }
0x5: {  	_ = 	snop  }
0x6: {  	_ = 	snop  }
0x7: {  	_ = 	snop  }
__scs_overlays_trampoline_lowered:
0x8: {  	[smem:$0x3FAD] =	sst s0  }
0x9: {  	[smem:$0x3FAE] =	sst s1  }
0xa: {  	[smem:$0x3FAF] =	sst s2  }
0xb: {  	[smem:$0x3FB0] =	sst s3  }
0xc: {  	[smem:$0x3FB1] =	sst s4  }
0xd: {  	[smem:$0x3FB2] =	sst s5  }
0xe: {  	[smem:$0x3FB3] =	sst s6  }
0xf: {  	[smem:$0x3FB4] =	sst s7  }
0x10: {  	[smem:$0x3FB5] =	sst s8  }
0x11: {  	[smem:$0x3FB6] =	sst s9;
	s0 =	simm.s32 @!p0 $0x0  }
0x12: {  	s1 =	sld [smem:$0x3F9C];
	s0 =	simm.s32 @p0 $0x1  }
0x13: {  	[smem:$0x3FB7] =	sst s0;
	s0 =	simm.s32 @!p1 $0x0  }
0x14: {  	s2 =	sld [smem:$0x3F9B];
	s0 =	simm.s32 @p1 $0x1  }
0x15: {  	[smem:$0x3FB8] =	sst s0;
	s0 =	simm.s32 @!p2 $0x0  }
0x16: {  	s3 =	sld [smem:$0x3FDB];
	s0 =	simm.s32 @p2 $0x1  }
0x17: {  	s4 =	simm.s32 $0x1BF5;
	[smem:$0x3FBA] =	sst s0  }
0x18: {  	s0 =	sld [smem:$0x3F9D];
	_ =	swait.ge [sflag:s4], $0x0  }
0x19: {  	s7 =	sld [smem:$0x3F9E]  }
0x1a: {  	s8 =	sadd.s32 $0xFFFFE003, lr  }
0x1b: {  	s9 =	sadd.s32 $0xFFFFFEF7, lr;
	s5 =	simm.s32 $0xFFFFFFFF;
	p2 =	slt.u32 s8, $0xFFFFF086  }
0x1c: {  	p1 =	slt.u32 s9, $0xF7A;
	s5 =	simm.s32 @!p2 $0x0  }
0x1d: {  	s5 =	simm.s32 @p1 $0x1;
	p0 =	seq.s32 s7, s2  }
0x1e: {  	s7 =	smul.u32 @!p0 $0xF7A, s2;
	p2 =	seq.s32 @!p0 s5, $0x0  }
0x1f: {  	s9 =	smul.u32 $0xF7A, s1;
	s8 =	simm.s32 @!p0 $0x1BF5;
	p2 =	por !p2, p0  }
0x20: {  	[sflag:s8] =	ssyncset.s32 @!p0 $0xFFFFF086;
	s6 =	sadd.s32 @!p0 s3, s7;
	s7 =	simm.s32 @!p0 $0x108  }
0x21: {  	s3 =	sadd.s32 s3, s9;
	s6 =	sadd.s32 @!p0 $0x88, s6;
	s7 =	simm.s32 @p2 $0x1082  }
0x22: {  	[simem:s7], [sflag:s8] =	dma.local @!p0 [hbm:s6], $0xF7A  }
0x23: {  	s9 =	sor.u32 $0xD0000000, s2;
	s6 =	simm.s32 $0x108;
	_ =	swait.ge @!p0 [sflag:s8], $0x0  }
0x24: {  	s3 =	sadd.s32 $0x88, s3;
	s6 =	simm.s32 @!p1 $0x1082;
	[sflag:s4] =	ssyncset.s32 $0xFFFFF086  }
0x25: {  	[simem:s6], [sflag:s4] =	dma.local [hbm:s3], $0xF7A  }
0x26: {  	[smem:$0x3F9E] =	sst s1;
	(tag) =	ssettag s2;
	_ =	strace s9  }
0x27: {  	s1 =	sld [smem:$0x3FAE]  }
0x28: {  	s2 =	sld [smem:$0x3FAF]  }
0x29: {  	s4 =	sld [smem:$0x3FB1]  }
0x2a: {  	p0 =	seq.s32 s5, $0x0;
	s5 =	sld [smem:$0x3FB2]  }
0x2b: {  	s6 =	sld [smem:$0x3FB3]  }
0x2c: {  	s7 =	sld [smem:$0x3FB4]  }
0x2d: {  	s3 =	simm.s32 $0x108;
	s8 =	sld [smem:$0x3FB5]  }
0x2e: {  	s3 =	simm.s32 @!p0 $0x1082;
	s9 =	sld [smem:$0x3FB6]  }
0x2f: {  	lr =	sadd.s32 s0, s3;
	s0 =	sld [smem:$0x3FAD]  }
0x30: {  	s3 =	sld [smem:$0x3FB0]  }
0x31: {  	[smem:$0x3FB9] =	sst s10  }
0x32: {  	s10 =	sld [smem:$0x3FB7];
	_ =	sdelay $0x3  }
0x33: {  	p0 =	seq.s32 s10, $0x1;
	s10 =	sld [smem:$0x3FB9];
	_ =	sdelay $0x3  }
0x34: {  	[smem:$0x3FB9] =	sst s10  }
0x35: {  	s10 =	sld [smem:$0x3FB8];
	_ =	sdelay $0x3  }
0x36: {  	p1 =	seq.s32 s10, $0x1;
	s10 =	sld [smem:$0x3FB9];
	_ =	sdelay $0x3  }
0x37: {  	[smem:$0x3FB9] =	sst s10  }
0x38: {  	s10 =	sld [smem:$0x3FBA]  }
0x39: {  	_ = 	snop;
	(pc) =	sbr.ind lr, $3  }
0x3a: {  	_ = 	snop  }
0x3b: {  	_ = 	snop  }
0x3c: {  	p2 =	seq.s32 s10, $0x1;
	s10 =	sld [smem:$0x3FB9]  }
0x3d: {  	_ =	shalt  }
0x3e: {  	_ =	shalt  }
0x3f: {  	_ =	shalt  }
0x40: {  	_ =	shalt  }
0x41: {  	_ =	shalt  }
0x42: {  	_ =	shalt  }
0x43: {  	_ =	shalt  }
0x44: {  	_ =	shalt  }
0x45: {  	_ =	shalt  }
0x46: {  	_ =	shalt  }
0x47: {  	_ =	shalt  }
0x48: {  	_ =	shalt  }
0x49: {  	_ =	shalt  }
0x4a: {  	_ =	shalt  }
0x4b: {  	_ =	shalt  }
0x4c: {  	_ =	shalt  }
0x4d: {  	_ =	shalt  }
0x4e: {  	_ =	shalt  }
0x4f: {  	_ =	shalt  }
0x50: {  	_ =	shalt  }
0x51: {  	_ =	shalt  }
0x52: {  	_ =	shalt  }
0x53: {  	_ =	shalt  }
0x54: {  	_ =	shalt  }
0x55: {  	_ =	shalt  }
0x56: {  	_ =	shalt  }
0x57: {  	_ =	shalt  }
0x58: {  	_ =	shalt  }
0x59: {  	_ =	shalt  }
0x5a: {  	_ =	shalt  }
0x5b: {  	_ =	shalt  }
0x5c: {  	_ =	shalt  }
0x5d: {  	_ =	shalt  }
0x5e: {  	_ =	shalt  }
0x5f: {  	_ =	shalt  }
0x60: {  	_ =	shalt  }
0x61: {  	_ =	shalt  }
0x62: {  	_ =	shalt  }
0x63: {  	_ =	shalt  }
0x64: {  	_ =	shalt  }
0x65: {  	_ =	shalt  }
0x66: {  	_ =	shalt  }
0x67: {  	_ =	shalt  }
0x68: {  	_ =	shalt  }
0x69: {  	_ =	shalt  }
0x6a: {  	_ =	shalt  }
0x6b: {  	_ =	shalt  }
0x6c: {  	_ =	shalt  }
0x6d: {  	_ =	shalt  }
0x6e: {  	_ =	shalt  }
0x6f: {  	_ =	shalt  }
0x70: {  	_ =	shalt  }
0x71: {  	_ =	shalt  }
0x72: {  	_ =	shalt  }
0x73: {  	_ =	shalt  }
0x74: {  	_ =	shalt  }
0x75: {  	_ =	shalt  }
0x76: {  	_ =	shalt  }
0x77: {  	_ =	shalt  }
0x78: {  	_ =	shalt  }
0x79: {  	_ =	shalt  }
0x7a: {  	_ =	shalt  }
0x7b: {  	_ =	shalt  }
0x7c: {  	_ =	shalt  }
0x7d: {  	_ =	shalt  }
0x7e: {  	_ =	shalt  }
0x7f: {  	_ =	shalt  }
0x80: {  	_ =	shalt  }
0x81: {  	_ =	shalt  }
0x82: {  	_ =	shalt  }
0x83: {  	_ =	shalt  }
0x84: {  	_ =	shalt  }
0x85: {  	_ =	shalt  }
0x86: {  	_ =	shalt  }
0x87: {  	_ =	shalt  }
.Lfunc_end0:
.L_simem_size_0:
called_computation_lowered:
.L_overlay_start_0:
0x88: {  	s0 =	sld [smem:$0x3FD9]  }
0x89: {  	s1 =	sld [smem:$0x3FFE];
	_ =	sdelay $0x3  }
0x8a: {  	s0 =	sadd.s32 s1, s0  }
0x8b: {  	[smem:$0x3FC5] =	sst s0  }
0x8c: {  	_ = 	snop  }
0x8d: {  	s0 =	sld [smem:$0x3FC9]  }
0x8e: {  	s17 =	sld [smem:$0x3FC8]  }
0x8f: {  	s2 =	sld [smem:$0x3FC7]  }
0x90: {  	s3 =	sld [smem:$0x3FD0];
	(tm) =	ssettm $0x1  }
0x91: {  	s4 =	sld [smem:$0x3FFB];
	_ =	sdelay $0x3  }
0x92: {  	_ =	strace s4  }
0x93: {  	s4 =	sld [smem:$0x3FFC];
	_ =	sdelay $0x3  }
0x94: {  	_ =	strace s4  }
0x95: {  	s4 =	sld [smem:$0x3FFD];
	_ =	sdelay $0x3  }
0x96: {  	_ =	strace s4  }
0x97: {  	_ =	strace $0x8FFFFFFF  }
0x98: {  	s18 =	sld [smem:$0x3FDB];
	_ =	sdelay $0x1  }
0x99: {  	s5 =	simm.s32 $_scs_section_size  }
0x9a: {  	s6 =	simm.s32 $_size__tile_overlayer_lowered;
	s7 =	simm.s32 $_tile_overlayer_lowered  }
0x9b: {  	s21 =	simm.s32 $0x1BFF;
	s20 =	sshll.u32 s7, $0x1;
	s4 =	sadd.s32 s5, s18  }
0x9c: {  	s8 =	simm.s32 $0x0;
	s19 =	sshll.u32 s6, $0x1;
	s6 =	sadd.s32 s20, s4  }
0x9d: {  	[timem:s8], [sflag:s21] =	dma.local [hbm:s6], s19  }
0x9e: {  	_ =	swait.ge [sflag:s21], s19  }
0x9f: {  	s5 =	ssub.s32 $0x0, s19;
	[sflag:s21] =	ssyncset.done $0x0  }
0xa0: {  	[sflag:s21] =	ssyncadd.s32 s5;
	_ =	sdelay $0x1  }
0xa1: {  	s22 =	simm.s32 $0x1B8B  }
0xa2: {  	_ =	swait.ge [sflag:s22], $0x1  }
0xa3: {  	[sflag:s22] =	ssyncset.done $0x0  }
0xa4: {  	s23 =	simm.s32 $0x1B8E;
	[sflag:s22] =	ssyncadd.s32 $0xFFFFFFFF  }
0xa5: {  	s24 =	simm.s32 $execute0_lowered;
	[smem:$0x3FD2] =	sst s23  }
0xa6: {  	s5 =	sshll.u32 s24, $0x1;
	_ =	strace $0x80000046;
	[dreg:$0x1] =	wrdreg $0xFFFFFFFF  }
0xa7: {  	s25 =	simm.s32 $_size_execute0_lowered;
	s4 =	sadd.s32 s4, s5;
	[dreg:$0x0] =	wrdreg $0x0  }
0xa8: {  	s5 =	sshll.u32 s25, $0x1;
	[dreg:$0x2] =	wrdreg s4  }
0xa9: {  	[dreg:$0x3] =	wrdreg s5  }
0xaa: {  	[dreg:$0x4] =	wrdreg $0xC0  }
0xab: {  	_ =	task [dreg:s8], $0x5FFFF  }
0xac: {  	[dreg:$0x1] =	wrdreg $0xFFFFFFFF  }
0xad: {  	[dreg:$0x0] =	wrdreg $0x60  }
0xae: {  	[dreg:$0x2] =	wrdreg s0  }
0xaf: {  	[dreg:$0x3] =	wrdreg s17  }
0xb0: {  	[dreg:$0x4] =	wrdreg s2  }
0xb1: {  	[dreg:$0x5] =	wrdreg s3  }
0xb2: {  	[dreg:$0x6] =	wrdreg $0x9  }
0xb3: {  	_ =	task.clear_ibuf [dreg:s8], $0x7FFFF;
	_ =	strace $0x90000046  }
0xb4: {  	s26 =	simm.s32 $0x9;
	_ =	strace $0x80000048  }
0xb5: {  	_ =	swait.ge [sflag:s26], $0x1  }
0xb6: {  	[sflag:s26] =	ssyncadd.s32 $0xFFFFFFFF  }
0xb7: {  	_ =	strace $0x90000048  }
0xb8: {  	_ =	sfence  }
0xb9: {  	s28 =	sld [smem:$0x0];
	_ =	sdelay $0x1  }
0xba: {  	s29 =	srdreg.scid  }
0xbb: {  	s30 =	sshll.u32 s29, $0xD;
	s31 =	sshrl.u32 s29, $0x2  }
0xbc: {  	s1 =	sand.u32 $0x1, s29;
	s2 =	sand.u32 $0x4000, s30;
	s0 =	sadd.s32 s31, s28  }
0xbd: {  	s1 =	sor.u32 s2, s1;
	s0 =	sshll.u32 s0, $0x11  }
0xbe: {  	s0 =	sor.u32 s0, s1  }
0xbf: {  	s0 =	sadd.s32 $0x8F2B, s0  }
0xc0: {  	[sflag:s0] =	ssyncadd.remote.s32 $0x1  }
0xc1: {  	_ =	sfence.sel $0xFFFF  }
0xc2: {  	[dreg:$0x0] =	wrdreg $0xFFFFFFFF;
	(pc) =	sbr.abs _section_cstart, $3  }
0xc3: {  	[dreg:$0x1] =	wrdreg $0xFFFFFFFF  }
0xc4: {  	_ =	task.clear_ibuf [dreg:s8], $0x2FFFF;
	_ =	strace $0x9FFFFFFF  }
0xc5: {  	(tm) =	ssettm $0x7FFFFFFF  }
tec
execute0_lowered:
.L_overlay_start_1:
0x0: {  	(tag) =	ssettag $0x1  }
0x1: {  	s5 =	rddreg [dreg:$0x0]  }
0x2: {  	s6 =	rddreg [dreg:$0x1]  }
0x3: {  	s7 =	rddreg [dreg:$0x2]  }
0x4: {  	s3 =	rddreg [dreg:$0x3]  }
0x5: {  	s0 =	rddreg [dreg:$0x4];
	s2 =	simm.s32 $0x0;
	s1 =	stileid.u32  }
0x6: {  	[smem:$0x7FF] =	sst s2;
	s4 =	sshll.u32 s1, $0x6  }
0x7: {  	s22 =	simm.s32 $0x4;
	_ =	strace $0x80000047;
	s5 =	sadd.s32 s5, s4  }
0x8: {  	[tilespmem:s2], [sflag:$0x4] =	stream.linear.gather [hbm4b:s5+s2], $0x200, $0x38;
	[tilespmem:$0x800] =	vst v63  }
0x9: {  	_ =	swait.ge [sflag:s22], $0x200  }
0xa: {  	[sflag:s22] =	ssyncset.done $0x0  }
0xb: {  	s8 =	simm.s32 $0x100;
	s9 =	simm.s32 $0x200;
	[sflag:s22] =	ssyncadd.s32 $0xFFFFFE00  }
0xc: {  	[tilespmem:s9], [sflag:$0x1] =	stream.indirect.gather [hbm4b:s6+s8], $0x1, s2, s8, $0xb8;
	[tilespmem:$0x800] =	vst v63  }
0xd: {  	s23 =	simm.s32 $0x300  }
0xe: {  	[tilespmem:s23], [sflag:$0x2] =	stream.indirect.gather [hbm4b:s6+s8], $0x1, s8, s8, $0xb8;
	[tilespmem:$0x800] =	vst v63  }
0xf: {  	s25 =	simm.s32 $0x400;
	s24 =	sadd.s32 s7, s4  }
0x10: {  	[tilespmem:s25], [sflag:$0x4] =	stream.linear.gather [hbm4b:s24+s2], $0x200, $0x38;
	[tilespmem:$0x800] =	vst v63  }
0x11: {  	_ =	swait.ge [sflag:s22], $0x200  }
0x12: {  	[sflag:s22] =	ssyncset.done $0x0  }
0x13: {  	s26 =	simm.s32 $0x1;
	[sflag:s22] =	ssyncadd.s32 $0xFFFFFE00  }
0x14: {  	_ =	swait.ge [sflag:s26], $0x100  }
0x15: {  	[sflag:s26] =	ssyncset.done $0x0  }
0x16: {  	[sflag:s26] =	ssyncadd.s32 $0xFFFFFF00  }
0x17: {  	v0 =	vld [tilespmem:$0x200]  }
0x18: {  	v1 =	vld [tilespmem:$0x400]  }
0x19: {  	v2 =	vld [tilespmem:$0x210]  }
0x1a: {  	v3 =	vld [tilespmem:$0x410]  }
0x1b: {  	v4 =	vld [tilespmem:$0x220]  }
0x1c: {  	v5 =	vld [tilespmem:$0x420]  }
0x1d: {  	v6 =	vld [tilespmem:$0x230]  }
0x1e: {  	v7 =	vld [tilespmem:$0x430]  }
0x1f: {  	v8 =	vld [tilespmem:$0x240]  }
0x20: {  	v9 =	vld [tilespmem:$0x440]  }
0x21: {  	v10 =	vld [tilespmem:$0x250]  }
0x22: {  	v11 =	vld [tilespmem:$0x450]  }
0x23: {  	v12 =	vld [tilespmem:$0x260]  }
0x24: {  	v13 =	vld [tilespmem:$0x460]  }
0x25: {  	v14 =	vld [tilespmem:$0x270]  }
0x26: {  	v15 =	vld [tilespmem:$0x470]  }
0x27: {  	v16 =	vld [tilespmem:$0x280]  }
0x28: {  	v17 =	vld [tilespmem:$0x480]  }
0x29: {  	v18 =	vld [tilespmem:$0x290]  }
0x2a: {  	v19 =	vld [tilespmem:$0x490]  }
0x2b: {  	v20 =	vld [tilespmem:$0x2A0]  }
0x2c: {  	v38 =	vld [tilespmem:$0x4A0];
	v0 =	vadd.f32 v1, v0  }
0x2d: {  	v39 =	vld [tilespmem:$0x2B0];
	v2 =	vadd.f32 v3, v2  }
0x2e: {  	v40 =	vld [tilespmem:$0x4B0];
	v4 =	vadd.f32 v5, v4;
	v0 =	vmul.f32 $1.442695020e+00, v0  }
0x2f: {  	v41 =	vld [tilespmem:$0x2C0];
	v6 =	vadd.f32 v7, v6;
	v2 =	vmul.f32 $1.442695020e+00, v2  }
0x30: {  	v44 =	vld [tilespmem:$0x4C0];
	v43 =	vadd.f32 v9, v8;
	v42 =	vmul.f32 $1.442695020e+00, v4;
	(erf) = vpow2.f32 v0  }
0x31: {  	v47 =	vld [tilespmem:$0x2D0];
	v46 =	vadd.f32 v11, v10;
	v45 =	vmul.f32 $1.442695020e+00, v6;
	(erf) = vpow2.f32 v2  }
0x32: {  	v50 =	vld [tilespmem:$0x4D0];
	v49 =	vadd.f32 v13, v12;
	v48 =	vmul.f32 $1.442695020e+00, v43;
	(erf) = vpow2.f32 v42  }
0x33: {  	v53 =	vld [tilespmem:$0x2E0];
	v52 =	vadd.f32 v15, v14;
	v51 =	vmul.f32 $1.442695020e+00, v46;
	(erf) = vpow2.f32 v45  }
0x34: {  	v56 =	vld [tilespmem:$0x4E0];
	v55 =	vadd.f32 v17, v16;
	v54 =	vmul.f32 $1.442695020e+00, v49;
	(erf) = vpow2.f32 v48  }
0x35: {  	v59 =	vld [tilespmem:$0x2F0];
	v58 =	vadd.f32 v19, v18;
	v57 =	vmul.f32 $1.442695020e+00, v52;
	(erf) = vpow2.f32 v51  }
0x36: {  	v61 =	vld [tilespmem:$0x4F0];
	v1 =	vadd.f32 v38, v20;
	v60 =	vmul.f32 $1.442695020e+00, v55;
	(erf) = vpow2.f32 v54  }
0x37: {  	v3 =	vadd.f32 v40, v39;
	v62 =	vmul.f32 $1.442695020e+00, v58;
	(erf) = vpow2.f32 v57  }
0x38: {  	v14 =	vadd.f32 v44, v41;
	v63 =	vmul.f32 $1.442695020e+00, v1;
	(erf) = vpow2.f32 v60  }
0x39: {  	v17 =	vadd.f32 v50, v47;
	v16 =	vmul.f32 $1.442695020e+00, v3;
	v15 =	vpop (erf);
	(erf) = vpow2.f32 v62  }
0x3a: {  	v20 =	vadd.f32 v56, v53;
	v19 =	vmul.f32 $1.442695020e+00, v14;
	[tilespmem:$0x600] =	vst v15;
	v18 =	vpop (erf);
	(erf) = vpow2.f32 v63  }
0x3b: {  	v23 =	vadd.f32 v61, v59;
	v22 =	vmul.f32 $1.442695020e+00, v17;
	[tilespmem:$0x610] =	vst v18;
	v21 =	vpop (erf);
	(erf) = vpow2.f32 v16  }
0x3c: {  	v25 =	vmul.f32 $1.442695020e+00, v20;
	[tilespmem:$0x620] =	vst v21;
	v24 =	vpop (erf);
	(erf) = vpow2.f32 v19  }
0x3d: {  	v27 =	vmul.f32 $1.442695020e+00, v23;
	[tilespmem:$0x630] =	vst v24;
	v26 =	vpop (erf);
	(erf) = vpow2.f32 v22  }
0x3e: {  	[tilespmem:$0x640] =	vst v26;
	v28 =	vpop (erf);
	(erf) = vpow2.f32 v25  }
0x3f: {  	[tilespmem:$0x650] =	vst v28;
	v29 =	vpop (erf);
	(erf) = vpow2.f32 v27  }
0x40: {  	[tilespmem:$0x660] =	vst v29;
	v30 =	vpop (erf)  }
0x41: {  	[tilespmem:$0x670] =	vst v30;
	v31 =	vpop (erf)  }
0x42: {  	[tilespmem:$0x680] =	vst v31;
	v32 =	vpop (erf)  }
0x43: {  	[tilespmem:$0x690] =	vst v32;
	v33 =	vpop (erf)  }
0x44: {  	[tilespmem:$0x6A0] =	vst v33;
	v34 =	vpop (erf)  }
0x45: {  	[tilespmem:$0x6B0] =	vst v34;
	v35 =	vpop (erf)  }
0x46: {  	[tilespmem:$0x6C0] =	vst v35;
	v36 =	vpop (erf)  }
0x47: {  	[tilespmem:$0x6D0] =	vst v36;
	v37 =	vpop (erf)  }
0x48: {  	[tilespmem:$0x6E0] =	vst v37;
	v38 =	vpop (erf)  }
0x49: {  	s28 =	simm.s32 $0x600;
	s29 =	simm.s32 $0x2;
	s3 =	sadd.s32 s3, s4;
	[tilespmem:$0x6F0] =	vst v38  }
0x4a: {  	[hbm4b:s3+s2] =	stream.linear.scatter [tilespmem:s28], [sflag:$0x3], $0x100, $0x38;
	[tilespmem:$0x800] =	vst v63  }
0x4b: {  	_ =	swait.ge [sflag:s29], $0x100  }
0x4c: {  	[sflag:s29] =	ssyncset.done $0x0  }
0x4d: {  	[sflag:s29] =	ssyncadd.s32 $0xFFFFFF00  }
0x4e: {  	v39 =	vld [tilespmem:$0x300]  }
0x4f: {  	v40 =	vld [tilespmem:$0x500]  }
0x50: {  	v41 =	vld [tilespmem:$0x310]  }
0x51: {  	v42 =	vld [tilespmem:$0x510]  }
0x52: {  	v43 =	vld [tilespmem:$0x320]  }
0x53: {  	v44 =	vld [tilespmem:$0x520]  }
0x54: {  	v45 =	vld [tilespmem:$0x330]  }
0x55: {  	v46 =	vld [tilespmem:$0x530]  }
0x56: {  	v47 =	vld [tilespmem:$0x340]  }
0x57: {  	v48 =	vld [tilespmem:$0x540]  }
0x58: {  	v49 =	vld [tilespmem:$0x350]  }
0x59: {  	v50 =	vld [tilespmem:$0x550]  }
0x5a: {  	v51 =	vld [tilespmem:$0x360]  }
0x5b: {  	v52 =	vld [tilespmem:$0x560]  }
0x5c: {  	v53 =	vld [tilespmem:$0x370]  }
0x5d: {  	v54 =	vld [tilespmem:$0x570]  }
0x5e: {  	v55 =	vld [tilespmem:$0x380]  }
0x5f: {  	v56 =	vld [tilespmem:$0x580]  }
0x60: {  	v57 =	vld [tilespmem:$0x390]  }
0x61: {  	v58 =	vld [tilespmem:$0x590]  }
0x62: {  	v59 =	vld [tilespmem:$0x3A0]  }
0x63: {  	v60 =	vld [tilespmem:$0x5A0];
	v0 =	vadd.f32 v40, v39  }
0x64: {  	v61 =	vld [tilespmem:$0x3B0];
	v2 =	vadd.f32 v42, v41  }
0x65: {  	v62 =	vld [tilespmem:$0x5B0];
	v4 =	vadd.f32 v44, v43;
	v0 =	vmul.f32 $1.442695020e+00, v0  }
0x66: {  	v63 =	vld [tilespmem:$0x3C0];
	v6 =	vadd.f32 v46, v45;
	v2 =	vmul.f32 $1.442695020e+00, v2  }
0x67: {  	v23 =	vld [tilespmem:$0x5C0];
	v22 =	vadd.f32 v48, v47;
	v21 =	vmul.f32 $1.442695020e+00, v4;
	(erf) = vpow2.f32 v0  }
0x68: {  	v26 =	vld [tilespmem:$0x3D0];
	v25 =	vadd.f32 v50, v49;
	v24 =	vmul.f32 $1.442695020e+00, v6;
	(erf) = vpow2.f32 v2  }
0x69: {  	v29 =	vld [tilespmem:$0x5D0];
	v28 =	vadd.f32 v52, v51;
	v27 =	vmul.f32 $1.442695020e+00, v22;
	(erf) = vpow2.f32 v21  }
0x6a: {  	v32 =	vld [tilespmem:$0x3E0];
	v31 =	vadd.f32 v54, v53;
	v30 =	vmul.f32 $1.442695020e+00, v25;
	(erf) = vpow2.f32 v24  }
0x6b: {  	v35 =	vld [tilespmem:$0x5E0];
	v34 =	vadd.f32 v56, v55;
	v33 =	vmul.f32 $1.442695020e+00, v28;
	(erf) = vpow2.f32 v27  }
0x6c: {  	v38 =	vld [tilespmem:$0x3F0];
	v37 =	vadd.f32 v58, v57;
	v36 =	vmul.f32 $1.442695020e+00, v31;
	(erf) = vpow2.f32 v30  }
0x6d: {  	v1 =	vadd.f32 v60, v59;
	v40 =	vld [tilespmem:$0x5F0];
	v39 =	vmul.f32 $1.442695020e+00, v34;
	(erf) = vpow2.f32 v33  }
0x6e: {  	v41 =	vadd.f32 v62, v61;
	v42 =	vmul.f32 $1.442695020e+00, v37;
	(erf) = vpow2.f32 v36  }
0x6f: {  	v44 =	vadd.f32 v23, v63;
	v43 =	vmul.f32 $1.442695020e+00, v1;
	(erf) = vpow2.f32 v39  }
0x70: {  	v46 =	vadd.f32 v29, v26;
	v2 =	vmul.f32 $1.442695020e+00, v41;
	v45 =	vpop (erf);
	(erf) = vpow2.f32 v42  }
0x71: {  	v48 =	vadd.f32 v35, v32;
	v1 =	vmul.f32 $1.442695020e+00, v44;
	[tilespmem:$0x700] =	vst v45;
	v47 =	vpop (erf);
	(erf) = vpow2.f32 v43  }
0x72: {  	v3 =	vmul.f32 $1.442695020e+00, v46;
	v50 =	vadd.f32 v40, v38;
	[tilespmem:$0x710] =	vst v47;
	v49 =	vpop (erf);
	(erf) = vpow2.f32 v2  }
0x73: {  	v0 =	vmul.f32 $1.442695020e+00, v48;
	[tilespmem:$0x720] =	vst v49;
	v51 =	vpop (erf);
	(erf) = vpow2.f32 v1  }
0x74: {  	v2 =	vmul.f32 $1.442695020e+00, v50;
	[tilespmem:$0x730] =	vst v51;
	v52 =	vpop (erf);
	(erf) = vpow2.f32 v3  }
0x75: {  	[tilespmem:$0x740] =	vst v52;
	v53 =	vpop (erf);
	(erf) = vpow2.f32 v0  }
0x76: {  	[tilespmem:$0x750] =	vst v53;
	v54 =	vpop (erf);
	(erf) = vpow2.f32 v2  }
0x77: {  	v55 =	vpop (erf);
	[tilespmem:$0x760] =	vst v54  }
0x78: {  	v56 =	vpop (erf);
	[tilespmem:$0x770] =	vst v55  }
0x79: {  	v57 =	vpop (erf);
	[tilespmem:$0x780] =	vst v56  }
0x7a: {  	v58 =	vpop (erf);
	[tilespmem:$0x790] =	vst v57  }
0x7b: {  	v59 =	vpop (erf);
	[tilespmem:$0x7A0] =	vst v58  }
0x7c: {  	v60 =	vpop (erf);
	[tilespmem:$0x7B0] =	vst v59  }
0x7d: {  	v61 =	vpop (erf);
	[tilespmem:$0x7C0] =	vst v60  }
0x7e: {  	v62 =	vpop (erf);
	[tilespmem:$0x7D0] =	vst v61  }
0x7f: {  	[tilespmem:$0x7E0] =	vst v62;
	v63 =	vpop (erf)  }
0x80: {  	s30 =	simm.s32 $0x700;
	s31 =	simm.s32 $0x3;
	s3 =	sadd.s32 $0x20, s3;
	[tilespmem:$0x7F0] =	vst v63  }
0x81: {  	[hbm4b:s3+s2] =	stream.linear.scatter [tilespmem:s30], [sflag:$0x3], $0x100, $0x38;
	[tilespmem:$0x800] =	vst v63  }
0x82: {  	_ =	swait.ge [sflag:s31], $0x100  }
0x83: {  	[sflag:s31] =	ssyncset.done $0x0  }
0x84: {  	[sflag:s31] =	ssyncadd.s32 $0xFFFFFF00  }
0x85: {  	_ =	swait.ge [sflag:s31], $0x100  }
0x86: {  	[sflag:s31] =	ssyncset.done $0x0  }
0x87: {  	[sflag:s31] =	ssyncadd.s32 $0xFFFFFF00  }
0x88: {  	_ =	sfence.sel $0x180000  }
0x89: {  	[bflag:$0x0] =	sbarrier.arrive $0xFFFF  }
0x8a: {  	p0 =	sne.s32 s1, $0x0;
	_ =	strace $0x90000047  }
0x8b: {  	s0 =	sadd.s32 @!p0 $0x100000, s0;
	[bflag:$0x2] =	sbarrier.arrive $0xFFFF  }
0x8c: {  	[sflag:s0] =	ssyncadd.tile.s32 @!p0 $0x1;
	_ =	shalt  }
.Lfunc_end2:
_tile_overlayer_lowered:
.L_overlay_start_2:
0x8d: {  	(tag) =	ssettag $0x2  }
0x8e: {  	s0 =	rddreg [dreg:$0x0];
	s2 =	stileid.u32  }
0x8f: {  	s1 =	rddreg [dreg:$0x1];
	p0 =	sne.s32 s2, $0x0  }
0x90: {  	s3 =	rddreg [dreg:$0x2];
	[bflag:$0x3] =	sbarrier.arrive $0xFFFF;
	s2 =	simm.s32 @!p0 $0x1C04  }
0x91: {  	[timem:s3], [sflag:s2] =	dma.local @!p0 [hbm:s0], s1  }
0x92: {  	s0 =	simm.s32 @!p0 $0x4  }
0x93: {  	_ =	swait.ge @!p0 [sflag:s0], s1  }
0x94: {  	s1 =	ssub.s32 @!p0 $0x0, s1;
	[sflag:s0] =	ssyncset.done @!p0 $0x0  }
0x95: {  	[sflag:s0] =	ssyncadd.s32 @!p0 s1  }
0x96: {  	[bflag:$0x3] =	sbarrier.arrive $0xFFFF  }
0x97: {  	_ =	shalt  }

</sc_bundles>
